<compile_context>
chip_gen: v7x
topology: tpu7x:2x2x1
jax: 0.10.2.dev20260603
libtpu: 0.0.44.dev20260713+nightly
codegen_flags: <defaults>
</compile_context>

<pallas_src>
import functools

import jax
import jax.numpy as jnp
from jax import lax
from jax.experimental import pallas as pl
from jax.experimental.pallas import tpu as pltpu
from jax.experimental.pallas import tpu_sc as plsc

_ROWS_PER_BLOCK = 3072


def _vq_block(x_ref, emb_ref, idx_ref, sse_ref, embt_ref):
    x = x_ref[...]
    emb = emb_ref[...]
    e2 = jnp.sum(emb * emb, axis=0, keepdims=True)
    x2 = jnp.sum(x * x, axis=1, keepdims=True)
    scores = jax.lax.dot_general(
        x, emb, (((1,), (0,)), ((), ())),
        preferred_element_type=jnp.float32)
    dist = (x2 - 2.0 * scores) + e2
    idx_ref[...] = jnp.argmin(dist, axis=1).astype(jnp.int32).reshape(
        idx_ref.shape)
    part = jnp.sum(jnp.min(dist, axis=1))
    @pl.when(pl.program_id(0) == 0)
    def _init():
        sse_ref[0, 0] = 0.0
        embt_ref[...] = jnp.concatenate(
            [emb.T, jnp.zeros_like(emb.T)], axis=1)
    sse_ref[0, 0] += part
    nsteps = pl.num_programs(0)
    @pl.when(pl.program_id(0) == nsteps - 1)
    def _finalize():
        total = jnp.float32(nsteps) * jnp.float32(x.shape[0] * x.shape[1])
        sse_ref[0, 0] = 2.0 * sse_ref[0, 0] / total


def _tc_stage(x, emb_mtrx):
    n, d = x.shape
    k = emb_mtrx.shape[1]
    nblocks = n // _ROWS_PER_BLOCK
    return pl.pallas_call(
        _vq_block,
        grid=(nblocks,),
        in_specs=[
            pl.BlockSpec((_ROWS_PER_BLOCK, d), lambda i: (i, 0)),
            pl.BlockSpec((d, k), lambda i: (0, 0)),
        ],
        out_specs=[
            pl.BlockSpec((_ROWS_PER_BLOCK // 128, 128), lambda i: (i, 0)),
            pl.BlockSpec((1, 1), lambda i: (0, 0), memory_space=pltpu.SMEM),
            pl.BlockSpec((k, 2 * d), lambda i: (0, 0)),
        ],
        out_shape=[
            jax.ShapeDtypeStruct((n // 128, 128), jnp.int32),
            jax.ShapeDtypeStruct((1, 1), jnp.float32),
            jax.ShapeDtypeStruct((k, 2 * d), jnp.float32),
        ],
    )(x, emb_mtrx)


def _sc_gather(table, idx, n, d):
    info = plsc.get_sparse_core_info()
    nw = info.num_cores * info.num_subcores
    b_per_w = n // nw

    @functools.partial(
        pl.kernel,
        mesh=plsc.VectorSubcoreMesh(core_axis_name="c", subcore_axis_name="s"),
        out_type=jax.ShapeDtypeStruct((n, d), jnp.float32),
        scratch_types=[
            pltpu.VMEM((b_per_w,), jnp.int32),
            pltpu.VMEM((b_per_w, 2 * d), jnp.float32),
            pltpu.VMEM((b_per_w, d), jnp.float32),
            pltpu.SemaphoreType.DMA,
        ],
    )
    def gather_kernel(table_hbm, idx_hbm, out_hbm, idx_v, rows128, rows64, sem):
        wid = lax.axis_index("s") * info.num_cores + lax.axis_index("c")
        base = wid * b_per_w
        pltpu.sync_copy(idx_hbm.at[pl.ds(base, b_per_w)], idx_v)
        pltpu.async_copy(table_hbm.at[idx_v], rows128, sem).wait()
        def _compact(r, carry):
            for c in range(0, d, 16):
                rows64[r, pl.ds(c, 16)] = rows128[r, pl.ds(c, 16)]
            return carry
        lax.fori_loop(0, b_per_w, _compact, 0)
        pltpu.sync_copy(rows64, out_hbm.at[pl.ds(base, b_per_w)])

    return gather_kernel(table, idx)


def kernel(inpt, emb_mtrx):
    x = inpt.reshape(-1, inpt.shape[-1])
    n, d = x.shape
    idx, loss, emb_t = _tc_stage(x, emb_mtrx)
    q = _sc_gather(emb_t, idx.reshape(n), n, d)
    return (q.reshape(inpt.shape), loss[0, 0])

# --- scband reference (transcript-rebuilt; emitter-appended) ---
"""Pipeline reference for scband-quantizer-74826920231488 (READ-ONLY COPY).

The authoritative reference and input builder live on the scoring server;
editing this copy changes nothing except your own understanding.
"""

import jax, jax.numpy as jnp
import numpy as np

NR_EMB = 1024
B_COMMITMENT = 1.0

def setup_inputs(seed: int = 0) -> dict:
    key = jax.random.key(seed)
    k1, k2 = jax.random.split(key)
    inpt = jax.random.normal(k1, (16, 576, 64), dtype=jnp.float32)
    # VarianceScaling(scale=1.0, mode='fan_in', distribution='uniform') on shape (d, K): fan_in = d = 64
    d = 64
    limit = float(np.sqrt(3.0 / d))
    emb_mtrx = jax.random.uniform(k2, (d, NR_EMB), dtype=jnp.float32, minval=-limit, maxval=limit)
    return {"inpt": inpt, "emb_mtrx": emb_mtrx}

def reference(inpt, emb_mtrx):
    x = inpt.reshape(-1, inpt.shape[-1])
    dist = (jnp.sum(x ** 2, axis=1, keepdims=True)
            - 2.0 * jnp.matmul(x, emb_mtrx)
            + jnp.sum(emb_mtrx ** 2, axis=0, keepdims=True))
    idx = jnp.argmax(-dist, axis=1)
    idx = idx.reshape(inpt.shape[:-1])
    q = jnp.take(jnp.transpose(emb_mtrx, (1, 0)), idx, axis=0)
    l_commitment = jnp.mean((jax.lax.stop_gradient(q) - inpt) ** 2)
    l_codebook = jnp.mean((q - jax.lax.stop_gradient(inpt)) ** 2)
    loss = B_COMMITMENT * l_commitment + l_codebook
    q = inpt + jax.lax.stop_gradient(q - inpt)
    return (q, loss)

if __name__ == "__main__":
    import jax
    _d = setup_inputs()
    print(jax.jit(kernel)(*tuple(_d.values())))

</pallas_src>

<mosaic_0001>
#map = affine_map<(d0, d1) -> (0, 0)>
#map1 = affine_map<(d0, d1) -> (0)>
module attributes {stable_mosaic.version = 14 : i64} {
  func.func @gather_kernel(%arg0: i32, %arg1: i32, %arg2: memref<1024x128xf32, #tpu.memory_space<hbm>>, %arg3: memref<9216xi32, #tpu.memory_space<hbm>>, %arg4: memref<9216x64xf32, #tpu.memory_space<hbm>>, %arg5: memref<288xi32, #tpu.memory_space<vmem>>, %arg6: memref<288x128xf32, #tpu.memory_space<vmem>>, %arg7: memref<288x64xf32, #tpu.memory_space<vmem>>, %arg8: memref<!tpu.dma_semaphore, #tpu.memory_space<semaphore_mem>>) attributes {dimension_semantics = [#tpu.dimension_semantics<core_parallel>, #tpu.dimension_semantics<subcore_parallel>], iteration_bounds = array<i64: 2, 16>, scalar_prefetch = 0 : i64, scratch_operands = 4 : i64, tpu.core_type = #tpu.core_type<sc_vector_subcore>, window_params = [{transform_indices = #map}, {transform_indices = #map1}, {transform_indices = #map}]} {
    %mul3A = arith.constant 2 : i32
    %mul3A_0 = arith.muli %arg1, %mul3A : i32
    %add3A = arith.addi %mul3A_0, %arg0 : i32
    %mul3A_1 = arith.constant 288 : i32
    %mul3A_2 = arith.muli %add3A, %mul3A_1 : i32
    "tpu.region"() ({
      %run_scoped3A = tpu.sem_alloc : memref<!tpu.dma_semaphore, #tpu.memory_space<semaphore_mem>>
      %dma_start3A_12 = tpu.memref_slice %arg3[%mul3A_2] : memref<9216xi32, #tpu.memory_space<hbm>> -> memref<288xi32, #tpu.memory_space<hbm>>
      %dma_start3A_13 = tpu.memref_slice %arg3[%mul3A_2] : memref<9216xi32, #tpu.memory_space<hbm>> -> memref<288xi32, #tpu.memory_space<hbm>>
      tpu.enqueue_dma source(%dma_start3A_13 : memref<288xi32, #tpu.memory_space<hbm>>) target(%arg5 : memref<288xi32, #tpu.memory_space<vmem>>) target_semaphore(%run_scoped3A : memref<!tpu.dma_semaphore, #tpu.memory_space<semaphore_mem>>)
      %dma_wait3A_14 = tpu.memref_slice %arg3[%mul3A_2] : memref<9216xi32, #tpu.memory_space<hbm>> -> memref<288xi32, #tpu.memory_space<hbm>>
      %dma_wait3A_15 = tpu.memref_slice %arg3[%mul3A_2] : memref<9216xi32, #tpu.memory_space<hbm>> -> memref<288xi32, #tpu.memory_space<hbm>>
      tpu.wait_dma2 semaphore(%run_scoped3A : memref<!tpu.dma_semaphore, #tpu.memory_space<semaphore_mem>>) src(%dma_wait3A_15 : memref<288xi32, #tpu.memory_space<hbm>>) dst(%arg5 : memref<288xi32, #tpu.memory_space<vmem>>)
      tpu.yield
    }) : () -> ()
    %dma_start3A = arith.constant 0 : i32
    %dma_start3A_3 = arith.constant 0 : i32
    %dma_start3A_4 = tpu.memref_slice %arg2[%dma_start3A, %dma_start3A_3] : memref<1024x128xf32, #tpu.memory_space<hbm>> -> memref<1024x128xf32, #tpu.memory_space<hbm>>
    tpu.enqueue_indirect_dma source(%dma_start3A_4 : memref<1024x128xf32, #tpu.memory_space<hbm>>) target(%arg6 : memref<288x128xf32, #tpu.memory_space<vmem>>) offsets(%arg5 : memref<288xi32, #tpu.memory_space<vmem>>) semaphore(%arg8 : memref<!tpu.dma_semaphore, #tpu.memory_space<semaphore_mem>>)
    %dma_wait3A = arith.constant 0 : i32
    %dma_wait3A_5 = arith.constant 0 : i32
    %dma_wait3A_6 = tpu.memref_slice %arg2[%dma_wait3A, %dma_wait3A_5] : memref<1024x128xf32, #tpu.memory_space<hbm>> -> memref<1024x128xf32, #tpu.memory_space<hbm>>
    tpu.wait_indirect_dma semaphore(%arg8 : memref<!tpu.dma_semaphore, #tpu.memory_space<semaphore_mem>>) src(%dma_wait3A_6 : memref<1024x128xf32, #tpu.memory_space<hbm>>) dst(%arg6 : memref<288x128xf32, #tpu.memory_space<vmem>>)
    %scan3A = arith.constant 0 : i32
    %scan3A_7 = arith.constant 0 : i32
    %scan3A_8 = arith.constant 288 : i32
    %scan3A_9 = arith.addi %scan3A_7, %scan3A_8 : i32
    %scan3A_10 = arith.constant 1 : i32
    scf.for %scan3A_12 = %scan3A_7 to %scan3A_9 step %scan3A_10  : i32 {
      %get3A = arith.index_cast %scan3A_12 : i32 to index
      %get3A_13 = arith.constant 0 : index
      %get3A_14 = tpu.vector_load %arg6[%get3A, %get3A_13] {strides = array<i32>} : memref<288x128xf32, #tpu.memory_space<vmem>>, vector<1x16xf32>,
      %get3A_15 = vector.shape_cast %get3A_14 : vector<1x16xf32> to vector<16xf32>
      %swap3A = arith.index_cast %scan3A_12 : i32 to index
      %swap3A_16 = arith.constant 0 : index
      %swap3A_17 = tpu.vector_load %arg7[%swap3A, %swap3A_16] {strides = array<i32>} : memref<288x64xf32, #tpu.memory_space<vmem>>, vector<1x16xf32>,
      %swap3A_18 = vector.shape_cast %swap3A_17 : vector<1x16xf32> to vector<16xf32>
      %swap3A_19 = vector.shape_cast %get3A_15 : vector<16xf32> to vector<1x16xf32>
      tpu.vector_store %arg7[%swap3A, %swap3A_16], %swap3A_19 {strides = array<i32>} : memref<288x64xf32, #tpu.memory_space<vmem>>, vector<1x16xf32>,
      %get3A_20 = arith.index_cast %scan3A_12 : i32 to index
      %get3A_21 = arith.constant 16 : index
      %get3A_22 = tpu.vector_load %arg6[%get3A_20, %get3A_21] {strides = array<i32>} : memref<288x128xf32, #tpu.memory_space<vmem>>, vector<1x16xf32>,
      %get3A_23 = vector.shape_cast %get3A_22 : vector<1x16xf32> to vector<16xf32>
      %swap3A_24 = arith.index_cast %scan3A_12 : i32 to index
      %swap3A_25 = arith.constant 16 : index
      %swap3A_26 = tpu.vector_load %arg7[%swap3A_24, %swap3A_25] {strides = array<i32>} : memref<288x64xf32, #tpu.memory_space<vmem>>, vector<1x16xf32>,
      %swap3A_27 = vector.shape_cast %swap3A_26 : vector<1x16xf32> to vector<16xf32>
      %swap3A_28 = vector.shape_cast %get3A_23 : vector<16xf32> to vector<1x16xf32>
      tpu.vector_store %arg7[%swap3A_24, %swap3A_25], %swap3A_28 {strides = array<i32>} : memref<288x64xf32, #tpu.memory_space<vmem>>, vector<1x16xf32>,
      %get3A_29 = arith.index_cast %scan3A_12 : i32 to index
      %get3A_30 = arith.constant 32 : index
      %get3A_31 = tpu.vector_load %arg6[%get3A_29, %get3A_30] {strides = array<i32>} : memref<288x128xf32, #tpu.memory_space<vmem>>, vector<1x16xf32>,
      %get3A_32 = vector.shape_cast %get3A_31 : vector<1x16xf32> to vector<16xf32>
      %swap3A_33 = arith.index_cast %scan3A_12 : i32 to index
      %swap3A_34 = arith.constant 32 : index
      %swap3A_35 = tpu.vector_load %arg7[%swap3A_33, %swap3A_34] {strides = array<i32>} : memref<288x64xf32, #tpu.memory_space<vmem>>, vector<1x16xf32>,
      %swap3A_36 = vector.shape_cast %swap3A_35 : vector<1x16xf32> to vector<16xf32>
      %swap3A_37 = vector.shape_cast %get3A_32 : vector<16xf32> to vector<1x16xf32>
      tpu.vector_store %arg7[%swap3A_33, %swap3A_34], %swap3A_37 {strides = array<i32>} : memref<288x64xf32, #tpu.memory_space<vmem>>, vector<1x16xf32>,
      %get3A_38 = arith.index_cast %scan3A_12 : i32 to index
      %get3A_39 = arith.constant 48 : index
      %get3A_40 = tpu.vector_load %arg6[%get3A_38, %get3A_39] {strides = array<i32>} : memref<288x128xf32, #tpu.memory_space<vmem>>, vector<1x16xf32>,
      %get3A_41 = vector.shape_cast %get3A_40 : vector<1x16xf32> to vector<16xf32>
      %swap3A_42 = arith.index_cast %scan3A_12 : i32 to index
      %swap3A_43 = arith.constant 48 : index
      %swap3A_44 = tpu.vector_load %arg7[%swap3A_42, %swap3A_43] {strides = array<i32>} : memref<288x64xf32, #tpu.memory_space<vmem>>, vector<1x16xf32>,
      %swap3A_45 = vector.shape_cast %swap3A_44 : vector<1x16xf32> to vector<16xf32>
      %swap3A_46 = vector.shape_cast %get3A_41 : vector<16xf32> to vector<1x16xf32>
      tpu.vector_store %arg7[%swap3A_42, %swap3A_43], %swap3A_46 {strides = array<i32>} : memref<288x64xf32, #tpu.memory_space<vmem>>, vector<1x16xf32>,
    }
    %scan3A_11 = arith.constant 288 : i32
    "tpu.region"() ({
      %run_scoped3A = tpu.sem_alloc : memref<!tpu.dma_semaphore, #tpu.memory_space<semaphore_mem>>
      %dma_start3A_12 = arith.constant 0 : i32
      %dma_start3A_13 = tpu.memref_slice %arg4[%mul3A_2, %dma_start3A_12] : memref<9216x64xf32, #tpu.memory_space<hbm>> -> memref<288x64xf32, #tpu.memory_space<hbm>>
      %dma_start3A_14 = arith.constant 0 : i32
      %dma_start3A_15 = tpu.memref_slice %arg4[%mul3A_2, %dma_start3A_14] : memref<9216x64xf32, #tpu.memory_space<hbm>> -> memref<288x64xf32, #tpu.memory_space<hbm>>
      tpu.enqueue_dma source(%arg7 : memref<288x64xf32, #tpu.memory_space<vmem>>) target(%dma_start3A_15 : memref<288x64xf32, #tpu.memory_space<hbm>>) target_semaphore(%run_scoped3A : memref<!tpu.dma_semaphore, #tpu.memory_space<semaphore_mem>>)
      %dma_wait3A_16 = arith.constant 0 : i32
      %dma_wait3A_17 = tpu.memref_slice %arg4[%mul3A_2, %dma_wait3A_16] : memref<9216x64xf32, #tpu.memory_space<hbm>> -> memref<288x64xf32, #tpu.memory_space<hbm>>
      %dma_wait3A_18 = arith.constant 0 : i32
      %dma_wait3A_19 = tpu.memref_slice %arg4[%mul3A_2, %dma_wait3A_18] : memref<9216x64xf32, #tpu.memory_space<hbm>> -> memref<288x64xf32, #tpu.memory_space<hbm>>
      tpu.wait_dma2 semaphore(%run_scoped3A : memref<!tpu.dma_semaphore, #tpu.memory_space<semaphore_mem>>) src(%arg7 : memref<288x64xf32, #tpu.memory_space<vmem>>) dst(%dma_wait3A_19 : memref<288x64xf32, #tpu.memory_space<hbm>>)
      tpu.yield
    }) : () -> ()
    return
  }
}

module attributes {stable_mosaic.version = 14 : i64} {
  func.func @_vq_block(%arg0: i32, %arg1: memref<3072x64xf32, #tpu.memory_space<vmem>>, %arg2: memref<64x1024xf32, #tpu.memory_space<vmem>>, %arg3: memref<24x128xi32, #tpu.memory_space<vmem>>, %arg4: memref<1x1xf32, #tpu.memory_space<smem>>, %arg5: memref<1024x128xf32, #tpu.memory_space<vmem>>) attributes {dimension_semantics = [#tpu.dimension_semantics<arbitrary>], iteration_bounds = array<i64: 3>, scalar_prefetch = 0 : i64, scratch_operands = 0 : i64, tpu.core_type = #tpu.core_type<tc>, window_params = [{transform_indices = @transform_0, window_bounds = array<i64: 3072, 64>}, {pipeline_mode = #tpu.pipeline_mode<synchronous>, transform_indices = @transform_1, window_bounds = array<i64: 64, 1024>}, {transform_indices = @transform_2, window_bounds = array<i64: 24, 128>}, {transform_indices = @transform_3, window_bounds = array<i64: 1, 1>}, {pipeline_mode = #tpu.pipeline_mode<synchronous>, transform_indices = @transform_4, window_bounds = array<i64: 1024, 128>}]} {
    %get3A = arith.constant 0 : index
    %get3A_0 = arith.constant 0 : index
    %get3A_1 = vector.load %arg1[%get3A, %get3A_0] : memref<3072x64xf32, #tpu.memory_space<vmem>>, vector<3072x64xf32>
    %get3A_2 = arith.constant 0 : index
    %get3A_3 = arith.constant 0 : index
    %get3A_4 = vector.load %arg2[%get3A_2, %get3A_3] : memref<64x1024xf32, #tpu.memory_space<vmem>>, vector<64x1024xf32>
    %mul3A = arith.mulf %get3A_4, %get3A_4 : vector<64x1024xf32>
    %reduce_sum3A = arith.constant dense<0.000000e+00> : vector<1024xf32>
    %reduce_sum3A_5 = vector.multi_reduction <add>, %mul3A, %reduce_sum3A [0] : vector<64x1024xf32> to vector<1024xf32>
    %broadcast_in_dim3A = vector.shape_cast %reduce_sum3A_5 : vector<1024xf32> to vector<1x1024xf32>
    %mul3A_6 = arith.mulf %get3A_1, %get3A_1 : vector<3072x64xf32>
    %reduce_sum3A_7 = arith.constant dense<0.000000e+00> : vector<3072xf32>
    %reduce_sum3A_8 = vector.multi_reduction <add>, %mul3A_6, %reduce_sum3A_7 [1] : vector<3072x64xf32> to vector<3072xf32>
    %broadcast_in_dim3A_9 = vector.shape_cast %reduce_sum3A_8 : vector<3072xf32> to vector<3072x1xf32>
    %dot_general3A = arith.constant dense<0.000000e+00> : vector<3072x1024xf32>
    %dot_general3A_10 = tpu.matmul %get3A_1, %get3A_4, %dot_general3A {dimension_numbers = #tpu.dot_dimension_numbers<[1], [0], [0], [1], [0, 0, 1, 1], [], []>, transpose_lhs_hint = false} : vector<3072x64xf32>, vector<64x1024xf32>, vector<3072x1024xf32> -> vector<3072x1024xf32>
    %mul3A_11 = arith.constant 2.000000e+00 : f32
    %mul3A_12 = vector.broadcast %mul3A_11 : f32 to vector<3072x1024xf32>
    %mul3A_13 = arith.mulf %mul3A_12, %dot_general3A_10 : vector<3072x1024xf32>
    %sub3A = vector.broadcast %broadcast_in_dim3A_9 : vector<3072x1xf32> to vector<3072x1024xf32>
    %sub3A_14 = arith.subf %sub3A, %mul3A_13 : vector<3072x1024xf32>
    %add3A = vector.broadcast %broadcast_in_dim3A : vector<1x1024xf32> to vector<3072x1024xf32>
    %add3A_15 = arith.addf %sub3A_14, %add3A : vector<3072x1024xf32>
    %argmin3A = tpu.reduce_index %add3A_15 {axis = 1 : i32, kind = #tpu.reduction_kind<arg_min>} : vector<3072x1024xf32> -> vector<3072xi32>
    %reshape3A = vector.shape_cast %argmin3A : vector<3072xi32> to vector<24x128xi32>
    %swap3A = arith.constant 0 : index
    %swap3A_16 = arith.constant 0 : index
    %swap3A_17 = vector.load %arg3[%swap3A, %swap3A_16] : memref<24x128xi32, #tpu.memory_space<vmem>>, vector<24x128xi32>
    tpu.vector_store %arg3[%swap3A, %swap3A_16], %reshape3A {strides = array<i32>} : memref<24x128xi32, #tpu.memory_space<vmem>>, vector<24x128xi32>,
    %reduce_min3A = arith.constant dense<0x7F800000> : vector<3072xf32>
    %reduce_min3A_18 = vector.multi_reduction <minimumf>, %add3A_15, %reduce_min3A [1] : vector<3072x1024xf32> to vector<3072xf32>
    %reduce_sum3A_19 = vector.shape_cast %reduce_min3A_18 : vector<3072xf32> to vector<1x3072xf32>
    %reduce_sum3A_20 = arith.constant dense<0.000000e+00> : vector<1xf32>
    %reduce_sum3A_21 = vector.multi_reduction <add>, %reduce_sum3A_19, %reduce_sum3A_20 [1] : vector<1x3072xf32> to vector<1xf32>
    %reduce_sum3A_22 = vector.shape_cast %reduce_sum3A_21 : vector<1xf32> to vector<1x1xf32>
    %reduce_sum3A_23 = vector.extract %reduce_sum3A_22[0, 0] : f32 from vector<1x1xf32>
    %eq3A = arith.constant 0 : i32
    %eq3A_24 = arith.cmpi eq, %arg0, %eq3A : i32
    %convert_element_type3A = arith.extui %eq3A_24 : i1 to i32
    %cond3A = arith.constant 0 : i32
    %cond3A_25 = arith.cmpi ne, %convert_element_type3A, %cond3A : i32
    scf.if %cond3A_25 {
      %swap3A_38 = arith.constant 0.000000e+00 : f32
      %swap3A_39 = arith.constant 0 : index
      %swap3A_40 = arith.constant 0 : index
      %swap3A_41 = memref.load %arg4[%swap3A_39, %swap3A_40] : memref<1x1xf32, #tpu.memory_space<smem>>
      memref.store %swap3A_38, %arg4[%swap3A_39, %swap3A_40] : memref<1x1xf32, #tpu.memory_space<smem>>
      %transpose3A = tpu.transpose %get3A_4, [1, 0] : vector<64x1024xf32> -> vector<1024x64xf32>
      %broadcast_in_dim3A_42 = arith.constant 0.000000e+00 : f32
      %broadcast_in_dim3A_43 = vector.broadcast %broadcast_in_dim3A_42 : f32 to vector<1024x64xf32>
      %concatenate3A = tpu.concatenate %transpose3A, %broadcast_in_dim3A_43 in 1 : vector<1024x64xf32>, vector<1024x64xf32> -> vector<1024x128xf32>
      %swap3A_44 = arith.constant 0 : index
      %swap3A_45 = arith.constant 0 : index
      %swap3A_46 = vector.load %arg5[%swap3A_44, %swap3A_45] : memref<1024x128xf32, #tpu.memory_space<vmem>>, vector<1024x128xf32>
      tpu.vector_store %arg5[%swap3A_44, %swap3A_45], %concatenate3A {strides = array<i32>} : memref<1024x128xf32, #tpu.memory_space<vmem>>, vector<1024x128xf32>,
    } else {
    }
    %get3A_26 = arith.constant 0 : index
    %get3A_27 = arith.constant 0 : index
    %get3A_28 = memref.load %arg4[%get3A_26, %get3A_27] : memref<1x1xf32, #tpu.memory_space<smem>>
    %add3A_29 = arith.addf %get3A_28, %reduce_sum3A_23 : f32
    %swap3A_30 = arith.constant 0 : index
    %swap3A_31 = arith.constant 0 : index
    %swap3A_32 = memref.load %arg4[%swap3A_30, %swap3A_31] : memref<1x1xf32, #tpu.memory_space<smem>>
    memref.store %add3A_29, %arg4[%swap3A_30, %swap3A_31] : memref<1x1xf32, #tpu.memory_space<smem>>
    %eq3A_33 = arith.constant 2 : i32
    %eq3A_34 = arith.cmpi eq, %arg0, %eq3A_33 : i32
    %convert_element_type3A_35 = arith.extui %eq3A_34 : i1 to i32
    %cond3A_36 = arith.constant 0 : i32
    %cond3A_37 = arith.cmpi ne, %convert_element_type3A_35, %cond3A_36 : i32
    scf.if %cond3A_37 {
      %mul3A_38 = arith.constant 3.000000e+00 : f32
      %mul3A_39 = arith.constant 1.966080e+05 : f32
      %mul3A_40 = arith.mulf %mul3A_38, %mul3A_39 : f32
      %get3A_41 = arith.constant 0 : index
      %get3A_42 = arith.constant 0 : index
      %get3A_43 = memref.load %arg4[%get3A_41, %get3A_42] : memref<1x1xf32, #tpu.memory_space<smem>>
      %mul3A_44 = arith.constant 2.000000e+00 : f32
      %mul3A_45 = arith.mulf %mul3A_44, %get3A_43 : f32
      %div3A = arith.divf %mul3A_45, %mul3A_40 : f32
      %swap3A_46 = arith.constant 0 : index
      %swap3A_47 = arith.constant 0 : index
      %swap3A_48 = memref.load %arg4[%swap3A_46, %swap3A_47] : memref<1x1xf32, #tpu.memory_space<smem>>
      memref.store %div3A, %arg4[%swap3A_46, %swap3A_47] : memref<1x1xf32, #tpu.memory_space<smem>>
    } else {
    }
    return
  }
  func.func @transform_0(%arg0: i32) -> (i32, i32) {
    %c0_i32 = arith.constant 0 : i32
    %c0_i32_0 = arith.constant 0 : i32
    return %arg0, %c0_i32 : i32, i32
  }
  func.func @transform_1(%arg0: i32) -> (i32, i32) {
    %c0_i32 = arith.constant 0 : i32
    %c0_i32_0 = arith.constant 0 : i32
    %c0_i32_1 = arith.constant 0 : i32
    return %c0_i32, %c0_i32_0 : i32, i32
  }
  func.func @transform_2(%arg0: i32) -> (i32, i32) {
    %c0_i32 = arith.constant 0 : i32
    %c0_i32_0 = arith.constant 0 : i32
    return %arg0, %c0_i32 : i32, i32
  }
  func.func @transform_3(%arg0: i32) -> (i32, i32) {
    %c0_i32 = arith.constant 0 : i32
    %c0_i32_0 = arith.constant 0 : i32
    %c0_i32_1 = arith.constant 0 : i32
    return %c0_i32, %c0_i32_0 : i32, i32
  }
  func.func @transform_4(%arg0: i32) -> (i32, i32) {
    %c0_i32 = arith.constant 0 : i32
    %c0_i32_0 = arith.constant 0 : i32
    %c0_i32_1 = arith.constant 0 : i32
    return %c0_i32, %c0_i32_0 : i32, i32
  }
}

</mosaic_0001>

<sc_bundles>
// kernel: kernel.4.cloned.1.call-start
scs
__scs_entry_jumppad:
0x0: {  	(pc) =	sbr.rel $0x88, $3  }
0x1: {  	(tag) =	ssettag $0x0;
	lr =	simm.s32 $0x1  }
0x2: {  	[smem:$0x3F9F] =	sst lr;
	_ =	strace $0xD0000000  }
0x3: {  	_ = 	snop  }
0x4: {  	_ = 	snop  }
0x5: {  	_ = 	snop  }
0x6: {  	_ = 	snop  }
0x7: {  	_ = 	snop  }
__scs_overlays_trampoline_lowered:
0x8: {  	[smem:$0x3FAE] =	sst s0  }
0x9: {  	[smem:$0x3FAF] =	sst s1  }
0xa: {  	[smem:$0x3FB0] =	sst s2  }
0xb: {  	[smem:$0x3FB1] =	sst s3  }
0xc: {  	[smem:$0x3FB2] =	sst s4  }
0xd: {  	[smem:$0x3FB3] =	sst s5  }
0xe: {  	[smem:$0x3FB4] =	sst s6  }
0xf: {  	[smem:$0x3FB5] =	sst s7  }
0x10: {  	[smem:$0x3FB6] =	sst s8  }
0x11: {  	[smem:$0x3FB7] =	sst s9;
	s0 =	simm.s32 @!p0 $0x0  }
0x12: {  	s1 =	sld [smem:$0x3F9D];
	s0 =	simm.s32 @p0 $0x1  }
0x13: {  	[smem:$0x3FB8] =	sst s0;
	s0 =	simm.s32 @!p1 $0x0  }
0x14: {  	s2 =	sld [smem:$0x3F9C];
	s0 =	simm.s32 @p1 $0x1  }
0x15: {  	[smem:$0x3FB9] =	sst s0;
	s0 =	simm.s32 @!p2 $0x0  }
0x16: {  	s3 =	sld [smem:$0x3FDB];
	s0 =	simm.s32 @p2 $0x1  }
0x17: {  	s4 =	simm.s32 $0x1BF5;
	[smem:$0x3FBB] =	sst s0  }
0x18: {  	s0 =	sld [smem:$0x3F9E];
	_ =	swait.ge [sflag:s4], $0x0  }
0x19: {  	s7 =	sld [smem:$0x3F9F]  }
0x1a: {  	s8 =	sadd.s32 $0xFFFFE003, lr  }
0x1b: {  	s9 =	sadd.s32 $0xFFFFFEF7, lr;
	s5 =	simm.s32 $0xFFFFFFFF;
	p2 =	slt.u32 s8, $0xFFFFF086  }
0x1c: {  	p1 =	slt.u32 s9, $0xF7A;
	s5 =	simm.s32 @!p2 $0x0  }
0x1d: {  	s5 =	simm.s32 @p1 $0x1;
	p0 =	seq.s32 s7, s2  }
0x1e: {  	s7 =	smul.u32 @!p0 $0xF7A, s2;
	p2 =	seq.s32 @!p0 s5, $0x0  }
0x1f: {  	s9 =	smul.u32 $0xF7A, s1;
	s8 =	simm.s32 @!p0 $0x1BF5;
	p2 =	por !p2, p0  }
0x20: {  	[sflag:s8] =	ssyncset.s32 @!p0 $0xFFFFF086;
	s6 =	sadd.s32 @!p0 s3, s7;
	s7 =	simm.s32 @!p0 $0x108  }
0x21: {  	s3 =	sadd.s32 s3, s9;
	s6 =	sadd.s32 @!p0 $0x88, s6;
	s7 =	simm.s32 @p2 $0x1082  }
0x22: {  	[simem:s7], [sflag:s8] =	dma.local @!p0 [hbm:s6], $0xF7A  }
0x23: {  	s9 =	sor.u32 $0xD0000000, s2;
	s6 =	simm.s32 $0x108;
	_ =	swait.ge @!p0 [sflag:s8], $0x0  }
0x24: {  	s3 =	sadd.s32 $0x88, s3;
	s6 =	simm.s32 @!p1 $0x1082;
	[sflag:s4] =	ssyncset.s32 $0xFFFFF086  }
0x25: {  	[simem:s6], [sflag:s4] =	dma.local [hbm:s3], $0xF7A  }
0x26: {  	[smem:$0x3F9F] =	sst s1;
	(tag) =	ssettag s2;
	_ =	strace s9  }
0x27: {  	s1 =	sld [smem:$0x3FAF]  }
0x28: {  	s2 =	sld [smem:$0x3FB0]  }
0x29: {  	s4 =	sld [smem:$0x3FB2]  }
0x2a: {  	p0 =	seq.s32 s5, $0x0;
	s5 =	sld [smem:$0x3FB3]  }
0x2b: {  	s6 =	sld [smem:$0x3FB4]  }
0x2c: {  	s7 =	sld [smem:$0x3FB5]  }
0x2d: {  	s3 =	simm.s32 $0x108;
	s8 =	sld [smem:$0x3FB6]  }
0x2e: {  	s3 =	simm.s32 @!p0 $0x1082;
	s9 =	sld [smem:$0x3FB7]  }
0x2f: {  	lr =	sadd.s32 s0, s3;
	s0 =	sld [smem:$0x3FAE]  }
0x30: {  	s3 =	sld [smem:$0x3FB1]  }
0x31: {  	[smem:$0x3FBA] =	sst s10  }
0x32: {  	s10 =	sld [smem:$0x3FB8];
	_ =	sdelay $0x3  }
0x33: {  	p0 =	seq.s32 s10, $0x1;
	s10 =	sld [smem:$0x3FBA];
	_ =	sdelay $0x3  }
0x34: {  	[smem:$0x3FBA] =	sst s10  }
0x35: {  	s10 =	sld [smem:$0x3FB9];
	_ =	sdelay $0x3  }
0x36: {  	p1 =	seq.s32 s10, $0x1;
	s10 =	sld [smem:$0x3FBA];
	_ =	sdelay $0x3  }
0x37: {  	[smem:$0x3FBA] =	sst s10  }
0x38: {  	s10 =	sld [smem:$0x3FBB]  }
0x39: {  	_ = 	snop;
	(pc) =	sbr.ind lr, $3  }
0x3a: {  	_ = 	snop  }
0x3b: {  	_ = 	snop  }
0x3c: {  	p2 =	seq.s32 s10, $0x1;
	s10 =	sld [smem:$0x3FBA]  }
0x3d: {  	_ =	shalt  }
0x3e: {  	_ =	shalt  }
0x3f: {  	_ =	shalt  }
0x40: {  	_ =	shalt  }
0x41: {  	_ =	shalt  }
0x42: {  	_ =	shalt  }
0x43: {  	_ =	shalt  }
0x44: {  	_ =	shalt  }
0x45: {  	_ =	shalt  }
0x46: {  	_ =	shalt  }
0x47: {  	_ =	shalt  }
0x48: {  	_ =	shalt  }
0x49: {  	_ =	shalt  }
0x4a: {  	_ =	shalt  }
0x4b: {  	_ =	shalt  }
0x4c: {  	_ =	shalt  }
0x4d: {  	_ =	shalt  }
0x4e: {  	_ =	shalt  }
0x4f: {  	_ =	shalt  }
0x50: {  	_ =	shalt  }
0x51: {  	_ =	shalt  }
0x52: {  	_ =	shalt  }
0x53: {  	_ =	shalt  }
0x54: {  	_ =	shalt  }
0x55: {  	_ =	shalt  }
0x56: {  	_ =	shalt  }
0x57: {  	_ =	shalt  }
0x58: {  	_ =	shalt  }
0x59: {  	_ =	shalt  }
0x5a: {  	_ =	shalt  }
0x5b: {  	_ =	shalt  }
0x5c: {  	_ =	shalt  }
0x5d: {  	_ =	shalt  }
0x5e: {  	_ =	shalt  }
0x5f: {  	_ =	shalt  }
0x60: {  	_ =	shalt  }
0x61: {  	_ =	shalt  }
0x62: {  	_ =	shalt  }
0x63: {  	_ =	shalt  }
0x64: {  	_ =	shalt  }
0x65: {  	_ =	shalt  }
0x66: {  	_ =	shalt  }
0x67: {  	_ =	shalt  }
0x68: {  	_ =	shalt  }
0x69: {  	_ =	shalt  }
0x6a: {  	_ =	shalt  }
0x6b: {  	_ =	shalt  }
0x6c: {  	_ =	shalt  }
0x6d: {  	_ =	shalt  }
0x6e: {  	_ =	shalt  }
0x6f: {  	_ =	shalt  }
0x70: {  	_ =	shalt  }
0x71: {  	_ =	shalt  }
0x72: {  	_ =	shalt  }
0x73: {  	_ =	shalt  }
0x74: {  	_ =	shalt  }
0x75: {  	_ =	shalt  }
0x76: {  	_ =	shalt  }
0x77: {  	_ =	shalt  }
0x78: {  	_ =	shalt  }
0x79: {  	_ =	shalt  }
0x7a: {  	_ =	shalt  }
0x7b: {  	_ =	shalt  }
0x7c: {  	_ =	shalt  }
0x7d: {  	_ =	shalt  }
0x7e: {  	_ =	shalt  }
0x7f: {  	_ =	shalt  }
0x80: {  	_ =	shalt  }
0x81: {  	_ =	shalt  }
0x82: {  	_ =	shalt  }
0x83: {  	_ =	shalt  }
0x84: {  	_ =	shalt  }
0x85: {  	_ =	shalt  }
0x86: {  	_ =	shalt  }
0x87: {  	_ =	shalt  }
.Lfunc_end0:
.L_simem_size_0:
called_computation_lowered:
.L_overlay_start_0:
0x88: {  	s2 =	sld [smem:$0x3FD9]  }
0x89: {  	s3 =	sld [smem:$0x3FFE];
	_ =	sdelay $0x1  }
0x8a: {  	s1 =	srdreg.scid  }
0x8b: {  	s0 =	sand.u32 $0x1, s1  }
0x8c: {  	s14 =	sshll.u32 s0, $0xA;
	s2 =	sadd.s32 s3, s2  }
0x8d: {  	s2 =	sadd.s32 s2, s14  }
0x8e: {  	[smem:$0x3FC6] =	sst s2  }
0x8f: {  	_ = 	snop  }
0x90: {  	s2 =	sld [smem:$0x3FD0];
	_ =	sdelay $0x2  }
0x91: {  	s15 =	simm.s32 $0xA;
	s4 =	simm.s32 $0x10  }
0x92: {  	[smem:s4], [sflag:s15] =	dma.local [hbm:s2], $0x1  }
0x93: {  	_ =	swait.eq [sflag:s15], $0x1  }
0x94: {  	[sflag:s15] =	ssyncset.done $0x0  }
0x95: {  	[sflag:s15] =	ssyncadd.s32 $0xFFFFFFFF  }
0x96: {  	s16 =	sld [smem:$0x10];
	(tm) =	ssettm $0x1  }
0x97: {  	s17 =	sld [smem:$0x3FFB];
	_ =	sdelay $0x3  }
0x98: {  	_ =	strace s17  }
0x99: {  	s3 =	sld [smem:$0x3FFC];
	_ =	sdelay $0x3  }
0x9a: {  	_ =	strace s3  }
0x9b: {  	s3 =	sld [smem:$0x3FFD];
	_ =	sdelay $0x3  }
0x9c: {  	_ =	strace s3  }
0x9d: {  	_ =	strace $0x8FFFFFFF  }
0x9e: {  	s18 =	sld [smem:$0x3FDB];
	_ =	sdelay $0x1  }
0x9f: {  	s19 =	simm.s32 $_scs_section_size  }
0xa0: {  	s5 =	simm.s32 $_size__tile_overlayer_lowered;
	s6 =	simm.s32 $_tile_overlayer_lowered  }
0xa1: {  	s22 =	simm.s32 $0x1BFF;
	s21 =	sshll.u32 s6, $0x1;
	s3 =	sadd.s32 s19, s18  }
0xa2: {  	s7 =	simm.s32 $0x0;
	s20 =	sshll.u32 s5, $0x1;
	s5 =	sadd.s32 s21, s3  }
0xa3: {  	[timem:s7], [sflag:s22] =	dma.local [hbm:s5], s20  }
0xa4: {  	_ =	swait.ge [sflag:s22], s20  }
0xa5: {  	s4 =	ssub.s32 $0x0, s20;
	[sflag:s22] =	ssyncset.done $0x0  }
0xa6: {  	[sflag:s22] =	ssyncadd.s32 s4;
	_ =	sdelay $0x1  }
0xa7: {  	s23 =	simm.s32 $0x1B8B  }
0xa8: {  	_ =	swait.ge [sflag:s23], $0x1  }
0xa9: {  	[sflag:s23] =	ssyncset.done $0x0  }
0xaa: {  	s25 =	simm.s32 $0x1B8E;
	s24 =	sld [smem:$0x3FFE];
	[sflag:s23] =	ssyncadd.s32 $0xFFFFFFFF  }
0xab: {  	s26 =	simm.s32 $execute0_lowered;
	[smem:$0x3FD2] =	sst s25  }
0xac: {  	s5 =	sshll.u32 s26, $0x1;
	_ =	strace $0x80000046;
	[dreg:$0x1] =	wrdreg $0xFFFFFFFF  }
0xad: {  	s28 =	simm.s32 $_size_execute0_lowered;
	s3 =	sadd.s32 s3, s5;
	[dreg:$0x0] =	wrdreg $0x0  }
0xae: {  	s5 =	sshll.u32 s28, $0x1;
	[dreg:$0x2] =	wrdreg s3  }
0xaf: {  	[dreg:$0x3] =	wrdreg s5  }
0xb0: {  	[dreg:$0x4] =	wrdreg $0xC0  }
0xb1: {  	_ =	task [dreg:s7], $0x5FFFF  }
0xb2: {  	[dreg:$0x1] =	wrdreg $0xFFFFFFFF  }
0xb3: {  	[dreg:$0x0] =	wrdreg $0x60  }
0xb4: {  	[dreg:$0x2] =	wrdreg s16  }
0xb5: {  	[dreg:$0x3] =	wrdreg s24  }
0xb6: {  	[dreg:$0x4] =	wrdreg $0x9  }
0xb7: {  	_ =	task.clear_ibuf [dreg:s7], $0x5FFFF;
	_ =	strace $0x90000046  }
0xb8: {  	s29 =	simm.s32 $0x9;
	_ =	strace $0x80000048  }
0xb9: {  	_ =	swait.ge [sflag:s29], $0x1  }
0xba: {  	[sflag:s29] =	ssyncadd.s32 $0xFFFFFFFF  }
0xbb: {  	_ =	strace $0x90000048  }
0xbc: {  	_ =	sfence  }
0xbd: {  	s30 =	sld [smem:$0x0];
	_ =	sdelay $0x2  }
0xbe: {  	s31 =	sshll.u32 s1, $0xD;
	s1 =	sshrl.u32 s1, $0x2  }
0xbf: {  	s3 =	sand.u32 $0x4000, s31;
	s1 =	sadd.s32 s1, s30  }
0xc0: {  	s0 =	sor.u32 s3, s0;
	s1 =	sshll.u32 s1, $0x11  }
0xc1: {  	s0 =	sor.u32 s1, s0  }
0xc2: {  	s0 =	sadd.s32 $0x8F2B, s0  }
0xc3: {  	[sflag:s0] =	ssyncadd.remote.s32 $0x1  }
0xc4: {  	_ =	sfence.sel $0xFFFF  }
0xc5: {  	[dreg:$0x0] =	wrdreg $0xFFFFFFFF;
	(pc) =	sbr.abs _section_cstart, $3  }
0xc6: {  	[dreg:$0x1] =	wrdreg $0xFFFFFFFF  }
0xc7: {  	_ =	task.clear_ibuf [dreg:s7], $0x2FFFF;
	_ =	strace $0x9FFFFFFF  }
0xc8: {  	(tm) =	ssettm $0x7FFFFFFF  }
0xc9: {  	_ =	shalt  }
tec
execute0_lowered:
.L_overlay_start_1:
0x0: {  	(tag) =	ssettag $0x1  }
0x1: {  	s1 =	srdreg.scid  }
0x2: {  	s0 =	stileid.u32;
	s2 =	rddreg [dreg:$0x0]  }
0x3: {  	s5 =	rddreg [dreg:$0x1];
	s3 =	simm.s32 $0x0;
	s9 =	simm.s32 $0x180  }
0x4: {  	s10 =	simm.s32 $0x1;
	s4 =	sand.u32 $0x1, s1;
	s30 =	sshll.u32 s0, $0x1  }
0x5: {  	s11 =	simm.s32 $0x9180;
	s12 =	simm.s32 $0x0;
	s6 =	sor.u32 s4, s30  }
0x6: {  	s1 =	rddreg [dreg:$0x2];
	s4 =	ssub.s32 $0x2, s4;
	s7 =	smul.u32 $0x24, s6  }
0x7: {  	[smem:$0x7FF] =	sst s3;
	s6 =	smul.u32 $0x1200, s6;
	s8 =	sshrl.u32 s4, $0x1  }
0x8: {  	_ =	strace $0x80000047;
	s31 =	ssub.s32 s4, s8;
	s8 =	simm.s32 $0x120  }
0x9: {  	s7 =	sadd.s32 s7, s5;
	s5 =	sadd.s32 s6, s5;
	s6 =	smax.u32 s31, $0x1  }
0xa: {  	s4 =	sadd.s32 $0xC00, s7;
	s5 =	sadd.s32 $0x1200, s5;
	s7 =	simm.s32 $0x2  }
.LBB2_1:
0xb: {  	[tilespmem:s3], [sflag:$0x2] =	stream.linear.gather [hbm4b:s4+s3], $0x120, $0x38;
	[tilespmem:$0x12180] =	vst v63  }
0xc: {  	_ =	swait.ge [sflag:s7], $0x120  }
0xd: {  	[sflag:s7] =	ssyncset.done $0x0  }
0xe: {  	[sflag:s7] =	ssyncadd.s32 $0xFFFFFEE0  }
0xf: {  	[tilespmem:s9], [sflag:$0x1] =	stream.indirect.gather [hbm4b:s2+s8], $0x80, s3, s8, $0xb8;
	[tilespmem:$0x12180] =	vst v63  }
0x10: {  	_ =	swait.ge [sflag:s10], $0x9000  }
0x11: {  	[sflag:s10] =	ssyncset.done $0x0  }
0x12: {  	s13 =	simm.s32 $0x0;
	[sflag:s10] =	ssyncadd.s32 $0xFFFF7000  }
0x13: {  	v0 =	vld [tilespmem:s13+$0x1B0]  }
0x14: {  	v1 =	vld [tilespmem:s13+$0x180]  }
0x15: {  	v2 =	vld [tilespmem:s13+$0x190]  }
0x16: {  	s14 =	simm.s32 $0x200;
	v3 =	vld [tilespmem:s13+$0x1A0]  }
.LBB2_2:
0x17: {  	p0 =	sne.s32 s14, $0x23E00  }
.Ltmp0:
0x18: {  	s15 =	sshra.s32 s14, $0x2;
	s14 =	sadd.s32 $0x200, s14;
	[tilespmem:s13+$0x91B0] =	vst v0;
	(pc) =	sbr.rel @p0 .LBB2_2-.Ltmp0, $4  }
0x19: {  	v0 =	vld [tilespmem:s15+$0x1B0];
	[tilespmem:s13+$0x9180] =	vst v1  }
0x1a: {  	v1 =	vld [tilespmem:s15+$0x180];
	[tilespmem:s13+$0x9190] =	vst v2  }
0x1b: {  	v2 =	vld [tilespmem:s15+$0x190];
	[tilespmem:s13+$0x91A0] =	vst v3;
	s13 =	smov.u32 s15  }
0x1c: {  	v3 =	vld [tilespmem:s13+$0x1A0]  }
0x1d: {  	_ = 	snop  }
0x1e: {  	[tilespmem:s13+$0x91B0] =	vst v0  }
0x1f: {  	s12 =	sadd.s32 $0x1, s12;
	[tilespmem:s13+$0x9180] =	vst v1  }
0x20: {  	p0 =	sne.s32 s12, s6;
	[tilespmem:s13+$0x9190] =	vst v2  }
.Ltmp1:
0x21: {  	[tilespmem:s13+$0x91A0] =	vst v3;
	(pc) =	sbr.rel @p0 .LBB2_1-.Ltmp1, $4  }
0x22: {  	[hbm4b:s5+s3] =	stream.linear.scatter [tilespmem:s11], [sflag:$0x2], $0x9000, $0x38;
	[tilespmem:$0x12180] =	vst v63  }
0x23: {  	_ =	swait.ge [sflag:s7], $0x9000  }
0x24: {  	[sflag:s7] =	ssyncset.done $0x0  }
0x25: {  	[sflag:s7] =	ssyncadd.s32 $0xFFFF7000  }
0x26: {  	_ =	sfence.sel $0x180000  }
0x27: {  	[bflag:$0x0] =	sbarrier.arrive $0xFFFF  }
0x28: {  	p0 =	sne.s32 s0, $0x0;
	_ =	strace $0x90000047  }
0x29: {  	s0 =	sadd.s32 @!p0 $0x100000, s1;
	[bflag:$0x2] =	sbarrier.arrive $0xFFFF  }
0x2a: {  	[sflag:s0] =	ssyncadd.tile.s32 @!p0 $0x1;
	_ =	shalt  }
.Lfunc_end2:
_tile_overlayer_lowered:
.L_overlay_start_2:
0x2b: {  	(tag) =	ssettag $0x2  }
0x2c: {  	s0 =	rddreg [dreg:$0x0];
	s2 =	stileid.u32  }
0x2d: {  	s1 =	rddreg [dreg:$0x1];
	p0 =	sne.s32 s2, $0x0  }
0x2e: {  	s3 =	rddreg [dreg:$0x2];
	[bflag:$0x3] =	sbarrier.arrive $0xFFFF;
	s2 =	simm.s32 @!p0 $0x1C02  }
0x2f: {  	[timem:s3], [sflag:s2] =	dma.local @!p0 [hbm:s0], s1  }
0x30: {  	s0 =	simm.s32 @!p0 $0x2  }
0x31: {  	_ =	swait.ge @!p0 [sflag:s0], s1  }
0x32: {  	s1 =	ssub.s32 @!p0 $0x0, s1;
	[sflag:s0] =	ssyncset.done @!p0 $0x0  }
0x33: {  	[sflag:s0] =	ssyncadd.s32 @!p0 s1  }
0x34: {  	[bflag:$0x3] =	sbarrier.arrive $0xFFFF  }
0x35: {  	_ =	shalt  }

</sc_bundles>
